<compile_context>
chip_gen: v7x
topology: tpu7x:2x2x1
jax: 0.10.2.dev20260603
libtpu: 0.0.44.dev20260713+nightly
codegen_flags: <defaults>
</compile_context>

<pallas_src>
import functools

import numpy as np
import jax
import jax.numpy as jnp
from jax import lax
from jax.experimental import pallas as pl
from jax.experimental.pallas import tpu as pltpu
from jax.experimental.pallas import tpu_sc as plsc

EMBED = 768
MAX_SEQ = 24
BASE_GSD = 10
_N = EMBED // 4


def _np_sincos_1d(dim, pos):
    omega = np.arange(dim // 2, dtype=np.float32) / (dim / 2.0)
    omega = (1.0 / (10000.0 ** omega)).astype(np.float32)
    out = pos[:, None].astype(np.float32) * omega
    return np.concatenate([np.sin(out), np.cos(out)], axis=-1).astype(np.float32)


def _np_month_table(dim):
    angles = np.arange(0, 13, dtype=np.float32) / (12.0 / (2.0 * np.pi))
    sin_t = np.stack([np.sin(angles)] * (dim // 2), axis=-1)
    cos_t = np.stack([np.cos(angles)] * (dim // 2), axis=-1)
    return np.concatenate([sin_t[:-1], cos_t[:-1]], axis=-1).astype(np.float32)


_PE = _np_sincos_1d(_N, np.arange(MAX_SEQ))
_MT = _np_month_table(_N)


def _sc_row_gather(table, idx, per_w):
    rows_total = idx.shape[0]
    width = table.shape[1]
    n_workers = rows_total // per_w
    mesh = plsc.VectorSubcoreMesh(core_axis_name="c", subcore_axis_name="s",
                                  num_cores=1)

    @functools.partial(
        pl.kernel,
        mesh=mesh,
        out_type=jax.ShapeDtypeStruct((rows_total, width), jnp.float32),
        scratch_types=[
            pltpu.VMEM((per_w,), jnp.int32),
            pltpu.VMEM((per_w, width), jnp.float32),
            pltpu.SemaphoreType.DMA,
        ],
    )
    def k(table_hbm, idx_hbm, out_hbm, idx_v, rows_v, sem):
        wid = lax.axis_index("s")

        @pl.when(wid < n_workers)
        def _():
            base = wid * per_w
            pltpu.sync_copy(idx_hbm.at[pl.ds(base, per_w)], idx_v)
            pltpu.async_copy(table_hbm.at[idx_v], rows_v, sem).wait()
            pltpu.sync_copy(rows_v, out_hbm.at[pl.ds(base, per_w)])

    return k(table, idx)


def _tc_stream_add(tok5, add5, sef3):
    b, h, ts, w, d = tok5.shape
    tsp = add5.shape[1]
    hb = 8
    nh = h // hb

    def body(t_ref, a_ref, s_ref, o_ref):
        a = a_ref[...][:, :ts][None][:, :, :, None, :]
        s = s_ref[...][None, :, None, :, :]
        o_ref[...] = t_ref[...] + a + s

    return pl.pallas_call(
        body,
        grid=(b * nh,),
        in_specs=[
            pl.BlockSpec((1, hb, ts, w, d), lambda i: (i // nh, i % nh, 0, 0, 0)),
            pl.BlockSpec((1, tsp, d), lambda i: (i // nh, 0, 0)),
            pl.BlockSpec((hb, w, d), lambda i: (i % nh, 0, 0)),
        ],
        out_specs=pl.BlockSpec((1, hb, ts, w, d), lambda i: (i // nh, i % nh, 0, 0, 0)),
        out_shape=jax.ShapeDtypeStruct(tok5.shape, jnp.float32),
    )(tok5, add5, sef3)


def kernel(tokens, channel_embed, timestamps, patch_size, input_res):
    b, h, w, t, bs, d = tokens.shape
    n = d // 4

    n_months = _MT.shape[0]
    ts = t * bs
    tsp = 48
    const_part = np.concatenate([
        np.repeat(_PE[:t], bs, axis=0)[None].repeat(n_months, 0).reshape(-1, n),
        np.repeat(_MT, ts, axis=0),
        np.zeros((n_months * ts, n), np.float32),
    ], axis=-1)
    ce_rows = jnp.tile(channel_embed, (n_months * t, 1))
    addfull = jnp.concatenate([ce_rows, jnp.asarray(const_part)], axis=-1)

    months = timestamps[:, :, 1].astype(jnp.int32)
    jj = np.arange(ts)
    idx36 = months[:, jj // bs] * ts + jnp.asarray(jj, jnp.int32)[None]
    idxp = jnp.pad(idx36, ((0, 0), (0, tsp - ts)))
    addg = _sc_row_gather(addfull, idxp.reshape(-1), per_w=24)
    add5 = addg.reshape(b, tsp, d)

    ratio = (jnp.asarray(input_res, jnp.float32)
             * jnp.asarray(patch_size, jnp.float32)) / BASE_GSD
    gh = jnp.repeat(jnp.arange(h, dtype=jnp.float32), w)
    gw = jnp.tile(jnp.arange(w, dtype=jnp.float32), h)
    omega = jnp.asarray(
        (1.0 / (10000.0 ** (np.arange(n // 4, dtype=np.float32)
                            / (n / 4.0)))).astype(np.float32))
    ph = gh[:, None] * ratio * omega
    pw = gw[:, None] * ratio * omega
    se = jnp.concatenate(
        [jnp.sin(ph), jnp.cos(ph), jnp.sin(pw), jnp.cos(pw)], axis=-1)
    sef = jnp.concatenate(
        [jnp.zeros((h * w, 3 * n), jnp.float32), se], axis=-1)
    sef3 = sef.reshape(h, w, d)

    tok5 = tokens.transpose(0, 1, 3, 4, 2, 5).reshape(b, h, t * bs, w, d)
    out5 = _tc_stream_add(tok5, add5, sef3)
    return out5.reshape(b, h, t, bs, w, d).transpose(0, 1, 4, 2, 3, 5)

# --- scband reference (transcript-rebuilt; emitter-appended) ---
"""Pipeline reference for scband-flexi-helios-base-30124900614598 (READ-ONLY COPY).

The authoritative reference and input builder live on the scoring server;
editing this copy changes nothing except your own understanding.
"""

import jax, jax.numpy as jnp
import numpy as np

EMBED = 768
MAX_SEQ = 24
BAND_SETS = 3
BASE_GSD = 10


def sincos_1d(dim, pos):
    # pos: [...] float; returns [..., dim] with sin half then cos half
    omega = jnp.arange(dim // 2, dtype=jnp.float32) / (dim / 2.0)
    omega = 1.0 / (10000.0 ** omega)
    out = pos[..., None].astype(jnp.float32) * omega
    return jnp.concatenate([jnp.sin(out), jnp.cos(out)], axis=-1)


def get_1d_pos_encoding(positions, dim):
    return sincos_1d(dim, positions.astype(jnp.float32))


def get_month_table(dim):
    # sinusoidal month encoding table, shape [12, dim]
    angles = jnp.arange(0, 13, dtype=jnp.float32) / (12.0 / (2.0 * np.pi))
    sin_t = jnp.stack([jnp.sin(angles)] * (dim // 2), axis=-1)
    cos_t = jnp.stack([jnp.cos(angles)] * (dim // 2), axis=-1)
    return jnp.concatenate([sin_t[:-1], cos_t[:-1]], axis=-1)


def get_2d_sincos_with_res(grid_size, res, dim):
    # res: [b] per-example GSD ratio; returns [b, grid_size*grid_size, dim]
    grid_h = jnp.arange(grid_size, dtype=jnp.float32)
    grid_w = jnp.arange(grid_size, dtype=jnp.float32)
    gw, gh = jnp.meshgrid(grid_w, grid_h)
    grid = jnp.stack([gw, gh], axis=0)  # [2, gs, gs]
    grid = grid[None] * res[:, None, None, None]  # [b, 2, gs, gs]
    b = res.shape[0]
    emb_h = sincos_1d(dim // 2, grid[:, 1].reshape(b, -1))
    emb_w = sincos_1d(dim // 2, grid[:, 0].reshape(b, -1))
    return jnp.concatenate([emb_h, emb_w], axis=-1)


def setup_inputs(seed: int = 0) -> dict:
    key = jax.random.key(seed)
    k1, k2, k3 = jax.random.split(key, 3)
    tokens = jax.random.normal(k1, (8, 8, 8, 12, BAND_SETS, EMBED), dtype=jnp.float32)
    # learnable per-modality channel embeddings, random init (random_channel_embs=True)
    channel_embed = jax.random.uniform(k2, (BAND_SETS, EMBED // 4), dtype=jnp.float32)
    # timestamps [b, t, 3]; column 1 is the month index in [0, 12)
    timestamps = jax.random.randint(k3, (8, 12, 3), 0, 12)
    return {
        "tokens": tokens,
        "channel_embed": channel_embed,
        "timestamps": timestamps,
        "patch_size": 8,
        "input_res": 10,
    }


def reference(tokens, channel_embed, timestamps, patch_size, input_res):
    # Faithful translation of FlexiHeliosCompositeEncodings._apply_encodings_per_modality
    # for a multitemporal + spatial modality with 6-dim tokens [b, h, w, t, b_s, d].
    b, h, w, t, b_s, d = tokens.shape
    n = d // 4  # embedding_dim_per_embedding_type = int(0.25 * embedding_size)
    modality_embed = jnp.zeros_like(tokens)

    # channel embedding -> slots [0:n]
    ce = jnp.broadcast_to(channel_embed[None, None, None, None, :, :], (b, h, w, t, b_s, n))
    modality_embed = modality_embed.at[..., :n].add(ce)

    # temporal position embedding (frozen sincos) -> slots [n:2n]
    pos_embed = get_1d_pos_encoding(jnp.arange(MAX_SEQ), n)
    te = jnp.broadcast_to(pos_embed[:t][None, None, None, :, None, :], (b, h, w, t, b_s, n))
    modality_embed = modality_embed.at[..., n:2 * n].add(te)

    # month embedding lookup (frozen table) -> slots [2n:3n]
    months = timestamps[:, :, 1]
    month_table = get_month_table(n)
    me = jnp.take(month_table, months, axis=0)  # [b, t, n] -- gather / embedding lookup
    me = jnp.broadcast_to(me[:, None, None, :, None, :], (b, h, w, t, b_s, n))
    modality_embed = modality_embed.at[..., 2 * n:3 * n].add(me)

    # spatial 2d sincos encoding scaled by GSD ratio -> slots [3n:4n]
    gsd_ratio = input_res * patch_size / BASE_GSD
    se = get_2d_sincos_with_res(h, jnp.ones((b,), dtype=jnp.float32) * gsd_ratio, n)
    se = se.reshape(b, h, w, n)
    se = jnp.broadcast_to(se[:, :, :, None, None, :], (b, h, w, t, b_s, n))
    modality_embed = modality_embed.at[..., 3 * n:4 * n].add(se)

    return tokens + modality_embed

if __name__ == "__main__":
    import jax
    _d = setup_inputs()
    print(jax.jit(kernel)(*tuple(_d.values())))

</pallas_src>

<mosaic_0001>
#map = affine_map<(d0, d1) -> (0, 0)>
#map1 = affine_map<(d0, d1) -> (0)>
module attributes {stable_mosaic.version = 14 : i64} {
  func.func @k(%arg0: i32, %arg1: i32, %arg2: memref<432x768xf32, #tpu.memory_space<hbm>>, %arg3: memref<384xi32, #tpu.memory_space<hbm>>, %arg4: memref<384x768xf32, #tpu.memory_space<hbm>>, %arg5: memref<24xi32, #tpu.memory_space<vmem>>, %arg6: memref<24x768xf32, #tpu.memory_space<vmem>>, %arg7: memref<!tpu.dma_semaphore, #tpu.memory_space<semaphore_mem>>) attributes {dimension_semantics = [#tpu.dimension_semantics<core_parallel>, #tpu.dimension_semantics<subcore_parallel>], iteration_bounds = array<i64: 1, 16>, scalar_prefetch = 0 : i64, scratch_operands = 3 : i64, tpu.core_type = #tpu.core_type<sc_vector_subcore>, window_params = [{transform_indices = #map}, {transform_indices = #map1}, {transform_indices = #map}]} {
    %lt3A = arith.constant 16 : i32
    %lt3A_0 = arith.cmpi slt, %arg1, %lt3A : i32
    %convert_element_type3A = arith.extui %lt3A_0 : i1 to i32
    %cond3A = arith.constant 0 : i32
    %cond3A_1 = arith.cmpi ne, %convert_element_type3A, %cond3A : i32
    scf.if %cond3A_1 {
      %mul3A = arith.constant 24 : i32
      %mul3A_2 = arith.muli %arg1, %mul3A : i32
      "tpu.region"() ({
        %run_scoped3A = tpu.sem_alloc : memref<!tpu.dma_semaphore, #tpu.memory_space<semaphore_mem>>
        %dma_start3A_7 = tpu.memref_slice %arg3[%mul3A_2] : memref<384xi32, #tpu.memory_space<hbm>> -> memref<24xi32, #tpu.memory_space<hbm>>
        %dma_start3A_8 = tpu.memref_slice %arg3[%mul3A_2] : memref<384xi32, #tpu.memory_space<hbm>> -> memref<24xi32, #tpu.memory_space<hbm>>
        tpu.enqueue_dma source(%dma_start3A_8 : memref<24xi32, #tpu.memory_space<hbm>>) target(%arg5 : memref<24xi32, #tpu.memory_space<vmem>>) target_semaphore(%run_scoped3A : memref<!tpu.dma_semaphore, #tpu.memory_space<semaphore_mem>>)
        %dma_wait3A_9 = tpu.memref_slice %arg3[%mul3A_2] : memref<384xi32, #tpu.memory_space<hbm>> -> memref<24xi32, #tpu.memory_space<hbm>>
        %dma_wait3A_10 = tpu.memref_slice %arg3[%mul3A_2] : memref<384xi32, #tpu.memory_space<hbm>> -> memref<24xi32, #tpu.memory_space<hbm>>
        tpu.wait_dma2 semaphore(%run_scoped3A : memref<!tpu.dma_semaphore, #tpu.memory_space<semaphore_mem>>) src(%dma_wait3A_10 : memref<24xi32, #tpu.memory_space<hbm>>) dst(%arg5 : memref<24xi32, #tpu.memory_space<vmem>>)
        tpu.yield
      }) : () -> ()
      %dma_start3A = arith.constant 0 : i32
      %dma_start3A_3 = arith.constant 0 : i32
      %dma_start3A_4 = tpu.memref_slice %arg2[%dma_start3A, %dma_start3A_3] : memref<432x768xf32, #tpu.memory_space<hbm>> -> memref<432x768xf32, #tpu.memory_space<hbm>>
      tpu.enqueue_indirect_dma source(%dma_start3A_4 : memref<432x768xf32, #tpu.memory_space<hbm>>) target(%arg6 : memref<24x768xf32, #tpu.memory_space<vmem>>) offsets(%arg5 : memref<24xi32, #tpu.memory_space<vmem>>) semaphore(%arg7 : memref<!tpu.dma_semaphore, #tpu.memory_space<semaphore_mem>>)
      %dma_wait3A = arith.constant 0 : i32
      %dma_wait3A_5 = arith.constant 0 : i32
      %dma_wait3A_6 = tpu.memref_slice %arg2[%dma_wait3A, %dma_wait3A_5] : memref<432x768xf32, #tpu.memory_space<hbm>> -> memref<432x768xf32, #tpu.memory_space<hbm>>
      tpu.wait_indirect_dma semaphore(%arg7 : memref<!tpu.dma_semaphore, #tpu.memory_space<semaphore_mem>>) src(%dma_wait3A_6 : memref<432x768xf32, #tpu.memory_space<hbm>>) dst(%arg6 : memref<24x768xf32, #tpu.memory_space<vmem>>)
      "tpu.region"() ({
        %run_scoped3A = tpu.sem_alloc : memref<!tpu.dma_semaphore, #tpu.memory_space<semaphore_mem>>
        %dma_start3A_7 = arith.constant 0 : i32
        %dma_start3A_8 = tpu.memref_slice %arg4[%mul3A_2, %dma_start3A_7] : memref<384x768xf32, #tpu.memory_space<hbm>> -> memref<24x768xf32, #tpu.memory_space<hbm>>
        %dma_start3A_9 = arith.constant 0 : i32
        %dma_start3A_10 = tpu.memref_slice %arg4[%mul3A_2, %dma_start3A_9] : memref<384x768xf32, #tpu.memory_space<hbm>> -> memref<24x768xf32, #tpu.memory_space<hbm>>
        tpu.enqueue_dma source(%arg6 : memref<24x768xf32, #tpu.memory_space<vmem>>) target(%dma_start3A_10 : memref<24x768xf32, #tpu.memory_space<hbm>>) target_semaphore(%run_scoped3A : memref<!tpu.dma_semaphore, #tpu.memory_space<semaphore_mem>>)
        %dma_wait3A_11 = arith.constant 0 : i32
        %dma_wait3A_12 = tpu.memref_slice %arg4[%mul3A_2, %dma_wait3A_11] : memref<384x768xf32, #tpu.memory_space<hbm>> -> memref<24x768xf32, #tpu.memory_space<hbm>>
        %dma_wait3A_13 = arith.constant 0 : i32
        %dma_wait3A_14 = tpu.memref_slice %arg4[%mul3A_2, %dma_wait3A_13] : memref<384x768xf32, #tpu.memory_space<hbm>> -> memref<24x768xf32, #tpu.memory_space<hbm>>
        tpu.wait_dma2 semaphore(%run_scoped3A : memref<!tpu.dma_semaphore, #tpu.memory_space<semaphore_mem>>) src(%arg6 : memref<24x768xf32, #tpu.memory_space<vmem>>) dst(%dma_wait3A_14 : memref<24x768xf32, #tpu.memory_space<hbm>>)
        tpu.yield
      }) : () -> ()
    } else {
    }
    return
  }
}

module attributes {stable_mosaic.version = 14 : i64} {
  func.func @body(%arg0: i32, %arg1: memref<1x8x36x8x768xf32, #tpu.memory_space<vmem>>, %arg2: memref<1x48x768xf32, #tpu.memory_space<vmem>>, %arg3: memref<8x8x768xf32, #tpu.memory_space<vmem>>, %arg4: memref<1x8x36x8x768xf32, #tpu.memory_space<vmem>>) attributes {dimension_semantics = [#tpu.dimension_semantics<arbitrary>], iteration_bounds = array<i64: 8>, scalar_prefetch = 0 : i64, scratch_operands = 0 : i64, tpu.core_type = #tpu.core_type<tc>, window_params = [{transform_indices = @transform_0, window_bounds = array<i64: 1, 8, 36, 8, 768>}, {transform_indices = @transform_1, window_bounds = array<i64: 1, 48, 768>}, {transform_indices = @transform_2, window_bounds = array<i64: 8, 8, 768>}, {transform_indices = @transform_3, window_bounds = array<i64: 1, 8, 36, 8, 768>}]} {
    %get3A = arith.constant 0 : index
    %get3A_0 = arith.constant 0 : index
    %get3A_1 = arith.constant 0 : index
    %get3A_2 = vector.load %arg2[%get3A, %get3A_0, %get3A_1] : memref<1x48x768xf32, #tpu.memory_space<vmem>>, vector<1x48x768xf32>
    %slice3A = vector.extract_strided_slice %get3A_2 {offsets = [0, 0, 0], sizes = [1, 36, 768], strides = [1, 1, 1]} : vector<1x48x768xf32> to vector<1x36x768xf32>
    %broadcast_in_dim3A = vector.shape_cast %slice3A : vector<1x36x768xf32> to vector<1x1x36x768xf32>
    %broadcast_in_dim3A_3 = vector.shape_cast %broadcast_in_dim3A : vector<1x1x36x768xf32> to vector<1x1x36x1x768xf32>
    %get3A_4 = arith.constant 0 : index
    %get3A_5 = arith.constant 0 : index
    %get3A_6 = arith.constant 0 : index
    %get3A_7 = vector.load %arg3[%get3A_4, %get3A_5, %get3A_6] : memref<8x8x768xf32, #tpu.memory_space<vmem>>, vector<8x8x768xf32>
    %broadcast_in_dim3A_8 = vector.shape_cast %get3A_7 : vector<8x8x768xf32> to vector<1x8x1x8x768xf32>
    %get3A_9 = arith.constant 0 : index
    %get3A_10 = arith.constant 0 : index
    %get3A_11 = arith.constant 0 : index
    %get3A_12 = arith.constant 0 : index
    %get3A_13 = arith.constant 0 : index
    %get3A_14 = vector.load %arg1[%get3A_9, %get3A_10, %get3A_11, %get3A_12, %get3A_13] : memref<1x8x36x8x768xf32, #tpu.memory_space<vmem>>, vector<1x8x36x8x768xf32>
    %add3A = vector.broadcast %broadcast_in_dim3A_3 : vector<1x1x36x1x768xf32> to vector<1x8x36x8x768xf32>
    %add3A_15 = arith.addf %get3A_14, %add3A : vector<1x8x36x8x768xf32>
    %add3A_16 = vector.broadcast %broadcast_in_dim3A_8 : vector<1x8x1x8x768xf32> to vector<1x8x36x8x768xf32>
    %add3A_17 = arith.addf %add3A_15, %add3A_16 : vector<1x8x36x8x768xf32>
    %swap3A = arith.constant 0 : index
    %swap3A_18 = arith.constant 0 : index
    %swap3A_19 = arith.constant 0 : index
    %swap3A_20 = arith.constant 0 : index
    %swap3A_21 = arith.constant 0 : index
    %swap3A_22 = vector.load %arg4[%swap3A, %swap3A_18, %swap3A_19, %swap3A_20, %swap3A_21] : memref<1x8x36x8x768xf32, #tpu.memory_space<vmem>>, vector<1x8x36x8x768xf32>
    tpu.vector_store %arg4[%swap3A, %swap3A_18, %swap3A_19, %swap3A_20, %swap3A_21], %add3A_17 {strides = array<i32>} : memref<1x8x36x8x768xf32, #tpu.memory_space<vmem>>, vector<1x8x36x8x768xf32>,
    return
  }
  func.func @transform_0(%arg0: i32) -> (i32, i32, i32, i32, i32) {
    %jit3A = arith.constant 1 : i32
    %div3A = arith.divsi %arg0, %jit3A : i32
    %sign3A = arith.constant 0 : i32
    %sign3A_0 = arith.cmpi sgt, %arg0, %sign3A : i32
    %sign3A_1 = arith.extui %sign3A_0 : i1 to i32
    %sign3A_2 = arith.constant 0 : i32
    %sign3A_3 = arith.cmpi slt, %arg0, %sign3A_2 : i32
    %sign3A_4 = arith.extui %sign3A_3 : i1 to i32
    %sign3A_5 = arith.subi %sign3A_1, %sign3A_4 : i32
    %sign3A_6 = arith.constant 0 : i32
    %sign3A_7 = arith.cmpi sgt, %jit3A, %sign3A_6 : i32
    %sign3A_8 = arith.extui %sign3A_7 : i1 to i32
    %sign3A_9 = arith.constant 0 : i32
    %sign3A_10 = arith.cmpi slt, %jit3A, %sign3A_9 : i32
    %sign3A_11 = arith.extui %sign3A_10 : i1 to i32
    %sign3A_12 = arith.subi %sign3A_8, %sign3A_11 : i32
    %ne3A = arith.cmpi ne, %sign3A_5, %sign3A_12 : i32
    %rem3A = arith.remsi %arg0, %jit3A : i32
    %ne3A_13 = arith.constant 0 : i32
    %ne3A_14 = arith.cmpi ne, %rem3A, %ne3A_13 : i32
    %and3A = arith.andi %ne3A, %ne3A_14 : i1
    %sub3A = arith.constant 1 : i32
    %sub3A_15 = arith.subi %div3A, %sub3A : i32
    %select_n3A = arith.select %and3A, %sub3A_15, %div3A : i32
    %jit3A_16 = arith.constant 1 : i32
    %eq3A = arith.constant 0 : i32
    %eq3A_17 = arith.cmpi eq, %jit3A_16, %eq3A : i32
    %jit3A_18 = arith.constant 1 : i32
    %select_n3A_19 = arith.select %eq3A_17, %jit3A_18, %jit3A_16 : i32
    %rem3A_20 = arith.remsi %arg0, %select_n3A_19 : i32
    %ne3A_21 = arith.constant 0 : i32
    %ne3A_22 = arith.cmpi ne, %rem3A_20, %ne3A_21 : i32
    %lt3A = arith.constant 0 : i32
    %lt3A_23 = arith.cmpi slt, %rem3A_20, %lt3A : i32
    %lt3A_24 = arith.constant 0 : i32
    %lt3A_25 = arith.cmpi slt, %select_n3A_19, %lt3A_24 : i32
    %ne3A_26 = arith.xori %lt3A_23, %lt3A_25 : i1
    %and3A_27 = arith.andi %ne3A_26, %ne3A_22 : i1
    %add3A = arith.addi %rem3A_20, %select_n3A_19 : i32
    %select_n3A_28 = arith.select %and3A_27, %add3A, %rem3A_20 : i32
    %c0_i32 = arith.constant 0 : i32
    %c0_i32_29 = arith.constant 0 : i32
    %c0_i32_30 = arith.constant 0 : i32
    %c0_i32_31 = arith.constant 0 : i32
    return %select_n3A, %select_n3A_28, %c0_i32, %c0_i32_29, %c0_i32_30 : i32, i32, i32, i32, i32
  }
  func.func @transform_1(%arg0: i32) -> (i32, i32, i32) {
    %jit3A = arith.constant 1 : i32
    %div3A = arith.divsi %arg0, %jit3A : i32
    %sign3A = arith.constant 0 : i32
    %sign3A_0 = arith.cmpi sgt, %arg0, %sign3A : i32
    %sign3A_1 = arith.extui %sign3A_0 : i1 to i32
    %sign3A_2 = arith.constant 0 : i32
    %sign3A_3 = arith.cmpi slt, %arg0, %sign3A_2 : i32
    %sign3A_4 = arith.extui %sign3A_3 : i1 to i32
    %sign3A_5 = arith.subi %sign3A_1, %sign3A_4 : i32
    %sign3A_6 = arith.constant 0 : i32
    %sign3A_7 = arith.cmpi sgt, %jit3A, %sign3A_6 : i32
    %sign3A_8 = arith.extui %sign3A_7 : i1 to i32
    %sign3A_9 = arith.constant 0 : i32
    %sign3A_10 = arith.cmpi slt, %jit3A, %sign3A_9 : i32
    %sign3A_11 = arith.extui %sign3A_10 : i1 to i32
    %sign3A_12 = arith.subi %sign3A_8, %sign3A_11 : i32
    %ne3A = arith.cmpi ne, %sign3A_5, %sign3A_12 : i32
    %rem3A = arith.remsi %arg0, %jit3A : i32
    %ne3A_13 = arith.constant 0 : i32
    %ne3A_14 = arith.cmpi ne, %rem3A, %ne3A_13 : i32
    %and3A = arith.andi %ne3A, %ne3A_14 : i1
    %sub3A = arith.constant 1 : i32
    %sub3A_15 = arith.subi %div3A, %sub3A : i32
    %select_n3A = arith.select %and3A, %sub3A_15, %div3A : i32
    %c0_i32 = arith.constant 0 : i32
    %c0_i32_16 = arith.constant 0 : i32
    %c0_i32_17 = arith.constant 0 : i32
    return %select_n3A, %c0_i32, %c0_i32_16 : i32, i32, i32
  }
  func.func @transform_2(%arg0: i32) -> (i32, i32, i32) {
    %jit3A = arith.constant 1 : i32
    %eq3A = arith.constant 0 : i32
    %eq3A_0 = arith.cmpi eq, %jit3A, %eq3A : i32
    %jit3A_1 = arith.constant 1 : i32
    %select_n3A = arith.select %eq3A_0, %jit3A_1, %jit3A : i32
    %rem3A = arith.remsi %arg0, %select_n3A : i32
    %ne3A = arith.constant 0 : i32
    %ne3A_2 = arith.cmpi ne, %rem3A, %ne3A : i32
    %lt3A = arith.constant 0 : i32
    %lt3A_3 = arith.cmpi slt, %rem3A, %lt3A : i32
    %lt3A_4 = arith.constant 0 : i32
    %lt3A_5 = arith.cmpi slt, %select_n3A, %lt3A_4 : i32
    %ne3A_6 = arith.xori %lt3A_3, %lt3A_5 : i1
    %and3A = arith.andi %ne3A_6, %ne3A_2 : i1
    %add3A = arith.addi %rem3A, %select_n3A : i32
    %select_n3A_7 = arith.select %and3A, %add3A, %rem3A : i32
    %c0_i32 = arith.constant 0 : i32
    %c0_i32_8 = arith.constant 0 : i32
    %c0_i32_9 = arith.constant 0 : i32
    return %select_n3A_7, %c0_i32, %c0_i32_8 : i32, i32, i32
  }
  func.func @transform_3(%arg0: i32) -> (i32, i32, i32, i32, i32) {
    %jit3A = arith.constant 1 : i32
    %div3A = arith.divsi %arg0, %jit3A : i32
    %sign3A = arith.constant 0 : i32
    %sign3A_0 = arith.cmpi sgt, %arg0, %sign3A : i32
    %sign3A_1 = arith.extui %sign3A_0 : i1 to i32
    %sign3A_2 = arith.constant 0 : i32
    %sign3A_3 = arith.cmpi slt, %arg0, %sign3A_2 : i32
    %sign3A_4 = arith.extui %sign3A_3 : i1 to i32
    %sign3A_5 = arith.subi %sign3A_1, %sign3A_4 : i32
    %sign3A_6 = arith.constant 0 : i32
    %sign3A_7 = arith.cmpi sgt, %jit3A, %sign3A_6 : i32
    %sign3A_8 = arith.extui %sign3A_7 : i1 to i32
    %sign3A_9 = arith.constant 0 : i32
    %sign3A_10 = arith.cmpi slt, %jit3A, %sign3A_9 : i32
    %sign3A_11 = arith.extui %sign3A_10 : i1 to i32
    %sign3A_12 = arith.subi %sign3A_8, %sign3A_11 : i32
    %ne3A = arith.cmpi ne, %sign3A_5, %sign3A_12 : i32
    %rem3A = arith.remsi %arg0, %jit3A : i32
    %ne3A_13 = arith.constant 0 : i32
    %ne3A_14 = arith.cmpi ne, %rem3A, %ne3A_13 : i32
    %and3A = arith.andi %ne3A, %ne3A_14 : i1
    %sub3A = arith.constant 1 : i32
    %sub3A_15 = arith.subi %div3A, %sub3A : i32
    %select_n3A = arith.select %and3A, %sub3A_15, %div3A : i32
    %jit3A_16 = arith.constant 1 : i32
    %eq3A = arith.constant 0 : i32
    %eq3A_17 = arith.cmpi eq, %jit3A_16, %eq3A : i32
    %jit3A_18 = arith.constant 1 : i32
    %select_n3A_19 = arith.select %eq3A_17, %jit3A_18, %jit3A_16 : i32
    %rem3A_20 = arith.remsi %arg0, %select_n3A_19 : i32
    %ne3A_21 = arith.constant 0 : i32
    %ne3A_22 = arith.cmpi ne, %rem3A_20, %ne3A_21 : i32
    %lt3A = arith.constant 0 : i32
    %lt3A_23 = arith.cmpi slt, %rem3A_20, %lt3A : i32
    %lt3A_24 = arith.constant 0 : i32
    %lt3A_25 = arith.cmpi slt, %select_n3A_19, %lt3A_24 : i32
    %ne3A_26 = arith.xori %lt3A_23, %lt3A_25 : i1
    %and3A_27 = arith.andi %ne3A_26, %ne3A_22 : i1
    %add3A = arith.addi %rem3A_20, %select_n3A_19 : i32
    %select_n3A_28 = arith.select %and3A_27, %add3A, %rem3A_20 : i32
    %c0_i32 = arith.constant 0 : i32
    %c0_i32_29 = arith.constant 0 : i32
    %c0_i32_30 = arith.constant 0 : i32
    %c0_i32_31 = arith.constant 0 : i32
    return %select_n3A, %select_n3A_28, %c0_i32, %c0_i32_29, %c0_i32_30 : i32, i32, i32, i32, i32
  }
}

</mosaic_0001>

<sc_bundles>
// kernel: kernel.4.cloned.1.call-start
scs
__scs_entry_jumppad:
0x0: {  	(pc) =	sbr.rel $0x88, $3  }
0x1: {  	(tag) =	ssettag $0x0;
	lr =	simm.s32 $0x1  }
0x2: {  	[smem:$0x3F9C] =	sst lr;
	_ =	strace $0xD0000000  }
0x3: {  	_ = 	snop  }
0x4: {  	_ = 	snop  }
0x5: {  	_ = 	snop  }
0x6: {  	_ = 	snop  }
0x7: {  	_ = 	snop  }
__scs_overlays_trampoline_lowered:
0x8: {  	[smem:$0x3FAB] =	sst s0  }
0x9: {  	[smem:$0x3FAC] =	sst s1  }
0xa: {  	[smem:$0x3FAD] =	sst s2  }
0xb: {  	[smem:$0x3FAE] =	sst s3  }
0xc: {  	[smem:$0x3FAF] =	sst s4  }
0xd: {  	[smem:$0x3FB0] =	sst s5  }
0xe: {  	[smem:$0x3FB1] =	sst s6  }
0xf: {  	[smem:$0x3FB2] =	sst s7  }
0x10: {  	[smem:$0x3FB3] =	sst s8  }
0x11: {  	[smem:$0x3FB4] =	sst s9;
	s0 =	simm.s32 @!p0 $0x0  }
0x12: {  	s1 =	sld [smem:$0x3F9A];
	s0 =	simm.s32 @p0 $0x1  }
0x13: {  	[smem:$0x3FB5] =	sst s0;
	s0 =	simm.s32 @!p1 $0x0  }
0x14: {  	s2 =	sld [smem:$0x3F99];
	s0 =	simm.s32 @p1 $0x1  }
0x15: {  	[smem:$0x3FB6] =	sst s0;
	s0 =	simm.s32 @!p2 $0x0  }
0x16: {  	s3 =	sld [smem:$0x3FDB];
	s0 =	simm.s32 @p2 $0x1  }
0x17: {  	s4 =	simm.s32 $0x1BF5;
	[smem:$0x3FB8] =	sst s0  }
0x18: {  	s0 =	sld [smem:$0x3F9B];
	_ =	swait.ge [sflag:s4], $0x0  }
0x19: {  	s7 =	sld [smem:$0x3F9C]  }
0x1a: {  	s8 =	sadd.s32 $0xFFFFE003, lr  }
0x1b: {  	s9 =	sadd.s32 $0xFFFFFEF7, lr;
	s5 =	simm.s32 $0xFFFFFFFF;
	p2 =	slt.u32 s8, $0xFFFFF086  }
0x1c: {  	p1 =	slt.u32 s9, $0xF7A;
	s5 =	simm.s32 @!p2 $0x0  }
0x1d: {  	s5 =	simm.s32 @p1 $0x1;
	p0 =	seq.s32 s7, s2  }
0x1e: {  	s7 =	smul.u32 @!p0 $0xF7A, s2;
	p2 =	seq.s32 @!p0 s5, $0x0  }
0x1f: {  	s9 =	smul.u32 $0xF7A, s1;
	s8 =	simm.s32 @!p0 $0x1BF5;
	p2 =	por !p2, p0  }
0x20: {  	[sflag:s8] =	ssyncset.s32 @!p0 $0xFFFFF086;
	s6 =	sadd.s32 @!p0 s3, s7;
	s7 =	simm.s32 @!p0 $0x108  }
0x21: {  	s3 =	sadd.s32 s3, s9;
	s6 =	sadd.s32 @!p0 $0x88, s6;
	s7 =	simm.s32 @p2 $0x1082  }
0x22: {  	[simem:s7], [sflag:s8] =	dma.local @!p0 [hbm:s6], $0xF7A  }
0x23: {  	s9 =	sor.u32 $0xD0000000, s2;
	s6 =	simm.s32 $0x108;
	_ =	swait.ge @!p0 [sflag:s8], $0x0  }
0x24: {  	s3 =	sadd.s32 $0x88, s3;
	s6 =	simm.s32 @!p1 $0x1082;
	[sflag:s4] =	ssyncset.s32 $0xFFFFF086  }
0x25: {  	[simem:s6], [sflag:s4] =	dma.local [hbm:s3], $0xF7A  }
0x26: {  	[smem:$0x3F9C] =	sst s1;
	(tag) =	ssettag s2;
	_ =	strace s9  }
0x27: {  	s1 =	sld [smem:$0x3FAC]  }
0x28: {  	s2 =	sld [smem:$0x3FAD]  }
0x29: {  	s4 =	sld [smem:$0x3FAF]  }
0x2a: {  	p0 =	seq.s32 s5, $0x0;
	s5 =	sld [smem:$0x3FB0]  }
0x2b: {  	s6 =	sld [smem:$0x3FB1]  }
0x2c: {  	s7 =	sld [smem:$0x3FB2]  }
0x2d: {  	s3 =	simm.s32 $0x108;
	s8 =	sld [smem:$0x3FB3]  }
0x2e: {  	s3 =	simm.s32 @!p0 $0x1082;
	s9 =	sld [smem:$0x3FB4]  }
0x2f: {  	lr =	sadd.s32 s0, s3;
	s0 =	sld [smem:$0x3FAB]  }
0x30: {  	s3 =	sld [smem:$0x3FAE]  }
0x31: {  	[smem:$0x3FB7] =	sst s10  }
0x32: {  	s10 =	sld [smem:$0x3FB5];
	_ =	sdelay $0x3  }
0x33: {  	p0 =	seq.s32 s10, $0x1;
	s10 =	sld [smem:$0x3FB7];
	_ =	sdelay $0x3  }
0x34: {  	[smem:$0x3FB7] =	sst s10  }
0x35: {  	s10 =	sld [smem:$0x3FB6];
	_ =	sdelay $0x3  }
0x36: {  	p1 =	seq.s32 s10, $0x1;
	s10 =	sld [smem:$0x3FB7];
	_ =	sdelay $0x3  }
0x37: {  	[smem:$0x3FB7] =	sst s10  }
0x38: {  	s10 =	sld [smem:$0x3FB8]  }
0x39: {  	_ = 	snop;
	(pc) =	sbr.ind lr, $3  }
0x3a: {  	_ = 	snop  }
0x3b: {  	_ = 	snop  }
0x3c: {  	p2 =	seq.s32 s10, $0x1;
	s10 =	sld [smem:$0x3FB7]  }
0x3d: {  	_ =	shalt  }
0x3e: {  	_ =	shalt  }
0x3f: {  	_ =	shalt  }
0x40: {  	_ =	shalt  }
0x41: {  	_ =	shalt  }
0x42: {  	_ =	shalt  }
0x43: {  	_ =	shalt  }
0x44: {  	_ =	shalt  }
0x45: {  	_ =	shalt  }
0x46: {  	_ =	shalt  }
0x47: {  	_ =	shalt  }
0x48: {  	_ =	shalt  }
0x49: {  	_ =	shalt  }
0x4a: {  	_ =	shalt  }
0x4b: {  	_ =	shalt  }
0x4c: {  	_ =	shalt  }
0x4d: {  	_ =	shalt  }
0x4e: {  	_ =	shalt  }
0x4f: {  	_ =	shalt  }
0x50: {  	_ =	shalt  }
0x51: {  	_ =	shalt  }
0x52: {  	_ =	shalt  }
0x53: {  	_ =	shalt  }
0x54: {  	_ =	shalt  }
0x55: {  	_ =	shalt  }
0x56: {  	_ =	shalt  }
0x57: {  	_ =	shalt  }
0x58: {  	_ =	shalt  }
0x59: {  	_ =	shalt  }
0x5a: {  	_ =	shalt  }
0x5b: {  	_ =	shalt  }
0x5c: {  	_ =	shalt  }
0x5d: {  	_ =	shalt  }
0x5e: {  	_ =	shalt  }
0x5f: {  	_ =	shalt  }
0x60: {  	_ =	shalt  }
0x61: {  	_ =	shalt  }
0x62: {  	_ =	shalt  }
0x63: {  	_ =	shalt  }
0x64: {  	_ =	shalt  }
0x65: {  	_ =	shalt  }
0x66: {  	_ =	shalt  }
0x67: {  	_ =	shalt  }
0x68: {  	_ =	shalt  }
0x69: {  	_ =	shalt  }
0x6a: {  	_ =	shalt  }
0x6b: {  	_ =	shalt  }
0x6c: {  	_ =	shalt  }
0x6d: {  	_ =	shalt  }
0x6e: {  	_ =	shalt  }
0x6f: {  	_ =	shalt  }
0x70: {  	_ =	shalt  }
0x71: {  	_ =	shalt  }
0x72: {  	_ =	shalt  }
0x73: {  	_ =	shalt  }
0x74: {  	_ =	shalt  }
0x75: {  	_ =	shalt  }
0x76: {  	_ =	shalt  }
0x77: {  	_ =	shalt  }
0x78: {  	_ =	shalt  }
0x79: {  	_ =	shalt  }
0x7a: {  	_ =	shalt  }
0x7b: {  	_ =	shalt  }
0x7c: {  	_ =	shalt  }
0x7d: {  	_ =	shalt  }
0x7e: {  	_ =	shalt  }
0x7f: {  	_ =	shalt  }
0x80: {  	_ =	shalt  }
0x81: {  	_ =	shalt  }
0x82: {  	_ =	shalt  }
0x83: {  	_ =	shalt  }
0x84: {  	_ =	shalt  }
0x85: {  	_ =	shalt  }
0x86: {  	_ =	shalt  }
0x87: {  	_ =	shalt  }
.Lfunc_end0:
.L_simem_size_0:
called_computation_lowered:
.L_overlay_start_0:
0x88: {  	s0 =	sld [smem:$0x3FD9]  }
0x89: {  	s1 =	sld [smem:$0x3FFE];
	_ =	sdelay $0x3  }
0x8a: {  	s0 =	sadd.s32 s1, s0  }
0x8b: {  	[smem:$0x3FC3] =	sst s0  }
0x8c: {  	_ = 	snop  }
0x8d: {  	s0 =	sld [smem:$0x3FD0];
	(tm) =	ssettm $0x1  }
0x8e: {  	s16 =	sld [smem:$0x3FFB];
	_ =	sdelay $0x3  }
0x8f: {  	_ =	strace s16  }
0x90: {  	s1 =	sld [smem:$0x3FFC];
	_ =	sdelay $0x3  }
0x91: {  	_ =	strace s1  }
0x92: {  	s1 =	sld [smem:$0x3FFD];
	_ =	sdelay $0x3  }
0x93: {  	_ =	strace s1  }
0x94: {  	_ =	strace $0x8FFFFFFF  }
0x95: {  	s17 =	sld [smem:$0x3FDB];
	_ =	sdelay $0x1  }
0x96: {  	s2 =	simm.s32 $_scs_section_size  }
0x97: {  	s3 =	simm.s32 $_size__tile_overlayer_lowered;
	s4 =	simm.s32 $_tile_overlayer_lowered  }
0x98: {  	s20 =	simm.s32 $0x1BFF;
	s19 =	sshll.u32 s4, $0x1;
	s1 =	sadd.s32 s2, s17  }
0x99: {  	s5 =	simm.s32 $0x0;
	s18 =	sshll.u32 s3, $0x1;
	s3 =	sadd.s32 s19, s1  }
0x9a: {  	[timem:s5], [sflag:s20] =	dma.local [hbm:s3], s18  }
0x9b: {  	_ =	swait.ge [sflag:s20], s18  }
0x9c: {  	s2 =	ssub.s32 $0x0, s18;
	[sflag:s20] =	ssyncset.done $0x0  }
0x9d: {  	[sflag:s20] =	ssyncadd.s32 s2;
	_ =	sdelay $0x1  }
0x9e: {  	s21 =	simm.s32 $0x1B8B  }
0x9f: {  	_ =	swait.ge [sflag:s21], $0x1  }
0xa0: {  	[sflag:s21] =	ssyncset.done $0x0  }
0xa1: {  	s23 =	simm.s32 $0x1B8E;
	s22 =	sld [smem:$0x3FFE];
	[sflag:s21] =	ssyncadd.s32 $0xFFFFFFFF  }
0xa2: {  	s24 =	simm.s32 $execute0_lowered;
	[smem:$0x3FD2] =	sst s23  }
0xa3: {  	s3 =	sshll.u32 s24, $0x1;
	_ =	strace $0x80000046;
	[dreg:$0x1] =	wrdreg $0xFFFFFFFF  }
0xa4: {  	s25 =	simm.s32 $_size_execute0_lowered;
	s1 =	sadd.s32 s1, s3;
	[dreg:$0x0] =	wrdreg $0x0  }
0xa5: {  	s3 =	sshll.u32 s25, $0x1;
	[dreg:$0x2] =	wrdreg s1  }
0xa6: {  	[dreg:$0x3] =	wrdreg s3  }
0xa7: {  	[dreg:$0x4] =	wrdreg $0xC0  }
0xa8: {  	_ =	task [dreg:s5], $0x5FFFF  }
0xa9: {  	[dreg:$0x1] =	wrdreg $0xFFFFFFFF  }
0xaa: {  	[dreg:$0x0] =	wrdreg $0x60  }
0xab: {  	[dreg:$0x2] =	wrdreg s0  }
0xac: {  	[dreg:$0x3] =	wrdreg s22  }
0xad: {  	[dreg:$0x4] =	wrdreg $0x9  }
0xae: {  	_ =	task.clear_ibuf [dreg:s5], $0x5FFFF;
	_ =	strace $0x90000046  }
0xaf: {  	s26 =	simm.s32 $0x9;
	_ =	strace $0x80000048  }
0xb0: {  	_ =	swait.ge [sflag:s26], $0x1  }
0xb1: {  	[sflag:s26] =	ssyncadd.s32 $0xFFFFFFFF  }
0xb2: {  	_ =	strace $0x90000048  }
0xb3: {  	_ =	sfence  }
0xb4: {  	s28 =	sld [smem:$0x0];
	_ =	sdelay $0x1  }
0xb5: {  	s29 =	srdreg.scid  }
0xb6: {  	s30 =	sshll.u32 s29, $0xD;
	s31 =	sshrl.u32 s29, $0x2  }
0xb7: {  	s2 =	sand.u32 $0x4000, s30;
	s1 =	sand.u32 $0x1, s29;
	s0 =	sadd.s32 s31, s28  }
0xb8: {  	s1 =	sor.u32 s2, s1;
	s0 =	sshll.u32 s0, $0x11  }
0xb9: {  	s0 =	sor.u32 s0, s1  }
0xba: {  	s0 =	sadd.s32 $0x8F2B, s0  }
0xbb: {  	[sflag:s0] =	ssyncadd.remote.s32 $0x1  }
0xbc: {  	_ =	sfence.sel $0xFFFF  }
0xbd: {  	[dreg:$0x0] =	wrdreg $0xFFFFFFFF;
	(pc) =	sbr.abs _section_cstart, $3  }
0xbe: {  	[dreg:$0x1] =	wrdreg $0xFFFFFFFF  }
0xbf: {  	_ =	task.clear_ibuf [dreg:s5], $0x2FFFF;
	_ =	strace $0x9FFFFFFF  }
0xc0: {  	(tm) =	ssettm $0x7FFFFFFF  }
0xc1: {  	_ =	shalt  }
tec
execute0_lowered:
.L_overlay_start_1:
0x0: {  	(tag) =	ssettag $0x1  }
0x1: {  	s2 =	rddreg [dreg:$0x0];
	s0 =	stileid.u32  }
0x2: {  	s3 =	rddreg [dreg:$0x1];
	s4 =	smul.u32 $0x3, s0  }
0x3: {  	s1 =	rddreg [dreg:$0x2];
	s5 =	simm.s32 $0x0  }
0x4: {  	[smem:$0x7FF] =	sst s5;
	s4 =	sadd.s32 s4, s3  }
0x5: {  	s21 =	simm.s32 $0x2;
	_ =	strace $0x80000047;
	s4 =	sadd.s32 $0xE00, s4  }
0x6: {  	[tilespmem:s5], [sflag:$0x2] =	stream.linear.gather [hbm4b:s4+s5], $0x18, $0x38;
	[tilespmem:$0x4880] =	vst v63  }
0x7: {  	_ =	swait.ge [sflag:s21], $0x18  }
0x8: {  	[sflag:s21] =	ssyncset.done $0x0  }
0x9: {  	[sflag:s21] =	ssyncadd.s32 $0xFFFFFFE8  }
0xa: {  	v0 =	vld [tilespmem:$0x0];
	_ =	sdelay $0x4  }
0xb: {  	v1 =	vshrl.u32 v0, $0x3  }
0xc: {  	v1 =	vmul.u32 $0x30, v1  }
0xd: {  	v2 =	vlaneseq.u32;
	v0 =	vand.u32 $0x7, v0  }
0xe: {  	v62 =	vand.u32 $0x7, v2;
	v3 =	vshrl.u32 v2, $0x3;
	v0 =	vor.u32 v0, v1  }
0xf: {  	v3 =	vmul.u32 $0x8, v3;
	v4 =	vperm.xlane v0, v62;
	_ =	sdelay $0x1  }
0x10: {  	v4 =	vadd.s32 v3, v4;
	_ =	sdelay $0x2  }
0x11: {  	v2 =	vor.u32 $0x8, v2  }
0x12: {  	vm0 =	vmmov $0xffff;
	s6 =	simm.s32 $0x80;
	v0 =	vperm.xlane v0, v2  }
0x13: {  	[tilespmem:s6], [sflag:$0x1] =	stream.indirect_vreg.gather [hbm4b:s2+s5], $0x80, v4, vm0, $0xb8;
	[tilespmem:$0x4880] =	vst v63  }
0x14: {  	s8 =	simm.s32 $0x880;
	s7 =	sadd.s32 $0x100, s2;
	v0 =	vadd.s32 v3, v0  }
0x15: {  	[tilespmem:s8], [sflag:$0x1] =	stream.indirect_vreg.gather [hbm4b:s7+s5], $0x80, v4, vm0, $0xb8;
	[tilespmem:$0x4880] =	vst v63  }
0x16: {  	s9 =	simm.s32 $0x1080;
	s22 =	sadd.s32 $0x200, s2  }
0x17: {  	[tilespmem:s9], [sflag:$0x1] =	stream.indirect_vreg.gather [hbm4b:s22+s5], $0x80, v4, vm0, $0xb8;
	[tilespmem:$0x4880] =	vst v63  }
0x18: {  	s23 =	simm.s32 $0x1880  }
0x19: {  	[tilespmem:s23], [sflag:$0x1] =	stream.indirect_vreg.gather [hbm4b:s2+s5], $0x80, v0, vm0, $0xb8;
	[tilespmem:$0x4880] =	vst v63  }
0x1a: {  	s24 =	simm.s32 $0x2080  }
0x1b: {  	[tilespmem:s24], [sflag:$0x1] =	stream.indirect_vreg.gather [hbm4b:s7+s5], $0x80, v0, vm0, $0xb8;
	[tilespmem:$0x4880] =	vst v63  }
0x1c: {  	s25 =	simm.s32 $0x2880  }
0x1d: {  	[tilespmem:s25], [sflag:$0x1] =	stream.indirect_vreg.gather [hbm4b:s22+s5], $0x80, v0, vm0, $0xb8;
	[tilespmem:$0x4880] =	vst v63  }
0x1e: {  	v0 =	vld.msk [tilespmem:$0x10], $0xff;
	_ =	sdelay $0x4  }
0x1f: {  	v63 =	vshrl.u32 v0, $0x3  }
0x20: {  	v2 =	vmul.u32 $0x30, v63  }
0x21: {  	v0 =	vand.u32 $0x7, v0  }
0x22: {  	v0 =	vor.u32 v0, v2  }
0x23: {  	v0 =	vperm.xlane v0, v62;
	_ =	sdelay $0x1  }
0x24: {  	v0 =	vadd.s32 v3, v0;
	_ =	sdelay $0x3  }
0x25: {  	s26 =	simm.s32 $0x3080  }
0x26: {  	[tilespmem:s26], [sflag:$0x1] =	stream.indirect_vreg.gather [hbm4b:s2+s5], $0x80, v0, vm0, $0xb8;
	[tilespmem:$0x4880] =	vst v63  }
0x27: {  	s28 =	simm.s32 $0x3880  }
0x28: {  	[tilespmem:s28], [sflag:$0x1] =	stream.indirect_vreg.gather [hbm4b:s7+s5], $0x80, v0, vm0, $0xb8;
	[tilespmem:$0x4880] =	vst v63  }
0x29: {  	s29 =	simm.s32 $0x4080;
	s31 =	simm.s32 $0x1;
	s30 =	smul.u32 $0x900, s0  }
0x2a: {  	[tilespmem:s29], [sflag:$0x1] =	stream.indirect_vreg.gather [hbm4b:s22+s5], $0x80, v0, vm0, $0xb8;
	[tilespmem:$0x4880] =	vst v63  }
0x2b: {  	_ =	swait.ge [sflag:s31], $0x4800  }
0x2c: {  	s2 =	sadd.s32 s30, s3;
	[sflag:s31] =	ssyncset.done $0x0  }
0x2d: {  	s2 =	sadd.s32 $0x1000, s2;
	[sflag:s31] =	ssyncadd.s32 $0xFFFFB800  }
0x2e: {  	[hbm4b:s2+s5] =	stream.linear.scatter [tilespmem:s6], [sflag:$0x2], $0x4800, $0x38;
	[tilespmem:$0x4880] =	vst v63  }
0x2f: {  	_ =	swait.ge [sflag:s21], $0x4800  }
0x30: {  	[sflag:s21] =	ssyncset.done $0x0  }
0x31: {  	[sflag:s21] =	ssyncadd.s32 $0xFFFFB800  }
0x32: {  	_ =	sfence.sel $0x180000  }
0x33: {  	[bflag:$0x0] =	sbarrier.arrive $0xFFFF  }
0x34: {  	p0 =	sne.s32 s0, $0x0;
	_ =	strace $0x90000047  }
0x35: {  	s0 =	sadd.s32 @!p0 $0x100000, s1;
	[bflag:$0x2] =	sbarrier.arrive $0xFFFF  }
0x36: {  	[sflag:s0] =	ssyncadd.tile.s32 @!p0 $0x1;
	_ =	shalt  }
.Lfunc_end2:
_tile_overlayer_lowered:
.L_overlay_start_2:
0x37: {  	(tag) =	ssettag $0x2  }
0x38: {  	s0 =	rddreg [dreg:$0x0];
	s2 =	stileid.u32  }
0x39: {  	s1 =	rddreg [dreg:$0x1];
	p0 =	sne.s32 s2, $0x0  }
0x3a: {  	s3 =	rddreg [dreg:$0x2];
	[bflag:$0x3] =	sbarrier.arrive $0xFFFF;
	s2 =	simm.s32 @!p0 $0x1C02  }
0x3b: {  	[timem:s3], [sflag:s2] =	dma.local @!p0 [hbm:s0], s1  }
0x3c: {  	s0 =	simm.s32 @!p0 $0x2  }
0x3d: {  	_ =	swait.ge @!p0 [sflag:s0], s1  }
0x3e: {  	s1 =	ssub.s32 @!p0 $0x0, s1;
	[sflag:s0] =	ssyncset.done @!p0 $0x0  }
0x3f: {  	[sflag:s0] =	ssyncadd.s32 @!p0 s1  }
0x40: {  	[bflag:$0x3] =	sbarrier.arrive $0xFFFF  }
0x41: {  	_ =	shalt  }

</sc_bundles>
